<compile_context>
chip_gen: v7x
topology: tpu7x:2x2x1
jax: 0.10.2.dev20260603
libtpu: 0.0.44.dev20260713+nightly
codegen_flags: <defaults>
</compile_context>

<pallas_src>
import functools

import jax
import jax.numpy as jnp
from jax import lax
from jax.experimental import pallas as pl
from jax.experimental.pallas import tpu as pltpu
from jax.experimental.pallas import tpu_sc as plsc

_LN_EPS = 1e-12
_NC = 2
_NS = 16
_NW = _NC * _NS
_CHUNK = 128
_NSLICE = 1
_SEQ_BLK = 128


@functools.partial(jax.jit, static_argnums=(2,))
def _sc_gather(ids3, item_table, hidden):
    n_chunks = ids3.shape[1]
    per_w = n_chunks * _CHUNK
    n = _NW * per_w
    mesh = plsc.VectorSubcoreMesh(core_axis_name="c", subcore_axis_name="s")

    nbuf = 5
    assert n_chunks % nbuf == 0 and n_chunks >= 2 * nbuf

    @functools.partial(
        pl.kernel,
        out_type=jax.ShapeDtypeStruct((n, hidden), jnp.float32),
        mesh=mesh,
        scratch_types=[
            pltpu.VMEM((n_chunks, _CHUNK), jnp.int32),
        ] + [pltpu.VMEM((_CHUNK, hidden), jnp.float32)] * nbuf
          + [pltpu.SemaphoreType.DMA] * (2 * nbuf),
    )
    def k(ids_hbm, table_hbm, out_hbm, idx_v, *bufs_and_sems):
        rows = bufs_and_sems[:nbuf]
        gsems = bufs_and_sems[nbuf:2 * nbuf]
        osems = bufs_and_sems[2 * nbuf:]
        wid = lax.axis_index("s") * _NC + lax.axis_index("c")
        base = wid * per_w
        pltpu.sync_copy(ids_hbm.at[wid], idx_v)

        def wait_gather(b):
            pltpu.make_async_copy(
                table_hbm.at[pl.ds(0, _CHUNK)], rows[b], gsems[b]).wait()

        def wait_out(b):
            pltpu.make_async_copy(
                rows[b], out_hbm.at[pl.ds(0, _CHUNK)], osems[b]).wait()

        pltpu.async_copy(table_hbm.at[idx_v.at[0]], rows[0], gsems[0])
        pltpu.async_copy(table_hbm.at[idx_v.at[1]], rows[1], gsems[1])
        pltpu.async_copy(table_hbm.at[idx_v.at[2]], rows[2], gsems[2])

        def ring_body(p, carry):
            for b in range(nbuf):
                c = nbuf * p + b
                b2 = (b + 3) % nbuf

                @pl.when(c + 3 < n_chunks)
                def _():
                    @pl.when(c >= nbuf - 3)
                    def _():
                        wait_out(b2)
                    pltpu.async_copy(
                        table_hbm.at[idx_v.at[c + 3]], rows[b2], gsems[b2])

                wait_gather(b)
                pltpu.async_copy(
                    rows[b], out_hbm.at[pl.ds(base + c * _CHUNK, _CHUNK)],
                    osems[b])
            return carry

        lax.fori_loop(0, n_chunks // nbuf, ring_body, 0)
        for c in range(n_chunks - 2, n_chunks):
            wait_out(c % nbuf)

    return k(ids3, item_table)


def _tc_ln_call(gath, pos_tiled, gamma2, beta2, seq_len, hidden):
    n = gath.shape[0]
    blk = _SEQ_BLK * seq_len
    grid = n // blk

    def body(x_ref, p_ref, g_ref, b_ref, o_ref):
        pos_rep = jnp.broadcast_to(
            p_ref[...][None], (_SEQ_BLK, seq_len, hidden)).reshape(
                blk, hidden)
        x = x_ref[...] + pos_rep
        ones = jnp.ones((hidden, hidden), jnp.bfloat16)
        dn = (((1,), (0,)), ((), ()))
        inv_h = 1.0 / hidden
        mu = lax.dot_general(x.astype(jnp.bfloat16), ones, dn,
                             preferred_element_type=jnp.float32) * inv_h
        s2 = lax.dot_general((x * x).astype(jnp.bfloat16), ones, dn,
                             preferred_element_type=jnp.float32) * inv_h
        var = s2 - mu * mu
        o_ref[...] = (x - mu) * lax.rsqrt(var + _LN_EPS) * g_ref[...] + b_ref[...]

    return pl.pallas_call(
        body,
        grid=(grid,),
        in_specs=[
            pl.BlockSpec((blk, hidden), lambda i: (i, 0)),
            pl.BlockSpec((seq_len, hidden), lambda i: (0, 0)),
            pl.BlockSpec((1, hidden), lambda i: (0, 0)),
            pl.BlockSpec((1, hidden), lambda i: (0, 0)),
        ],
        out_specs=pl.BlockSpec((blk, hidden), lambda i: (i, 0)),
        out_shape=jax.ShapeDtypeStruct((n, hidden), jnp.float32),
    )(gath, pos_tiled, gamma2, beta2)


def kernel(input_ids, item_table, pos_table, ln_gamma, ln_beta):
    batch, seq_len = input_ids.shape
    hidden = item_table.shape[1]
    n = batch * seq_len
    n_slc = n // _NSLICE
    ids4 = input_ids.reshape(-1).astype(jnp.int32).reshape(
        _NSLICE, _NW, n_slc // (_NW * _CHUNK), _CHUNK)
    pos_tiled = pos_table
    gamma2 = ln_gamma.reshape(1, hidden)
    beta2 = ln_beta.reshape(1, hidden)
    gaths = [_sc_gather(ids4[s], item_table, hidden)
             for s in range(_NSLICE)]
    outs = [_tc_ln_call(g, pos_tiled, gamma2, beta2, seq_len, hidden)
            for g in gaths]
    out = jnp.concatenate(outs, axis=0)
    return out.reshape(batch, seq_len, hidden)

# --- scband reference (transcript-rebuilt; emitter-appended) ---
"""Pipeline reference for scband-bertembeddings-10196252361379 (READ-ONLY COPY).

The authoritative reference and input builder live on the scoring server;
editing this copy changes nothing except your own understanding.
"""

import jax, jax.numpy as jnp
import numpy as np

VOCAB = 100000
HIDDEN = 128
SEQ_LEN = 200
BATCH = 1024
EPS = 1e-12


def setup_inputs(seed: int = 0) -> dict:
    key = jax.random.key(seed)
    k1, k2, k3 = jax.random.split(key, 3)
    input_ids = jax.random.randint(k1, (BATCH, SEQ_LEN), 0, VOCAB, dtype=jnp.int64 if jax.config.jax_enable_x64 else jnp.int32)
    item_table = jax.random.normal(k2, (VOCAB, HIDDEN), dtype=jnp.float32) * 0.02
    # padding_idx=0 row initialized to zeros, matching torch.nn.Embedding(padding_idx=0)
    item_table = item_table.at[0].set(0.0)
    pos_table = jax.random.normal(k3, (SEQ_LEN, HIDDEN), dtype=jnp.float32) * 0.02
    ln_gamma = jnp.ones((HIDDEN,), dtype=jnp.float32)
    ln_beta = jnp.zeros((HIDDEN,), dtype=jnp.float32)
    return {"input_ids": input_ids, "item_table": item_table, "pos_table": pos_table, "ln_gamma": ln_gamma, "ln_beta": ln_beta}


def reference(input_ids, item_table, pos_table, ln_gamma, ln_beta):
    seq_length = input_ids.shape[1]
    position_ids = jnp.arange(seq_length)
    # gather embeddings (SparseCore-mappable gathers)
    item_embeddings = jnp.take(item_table, input_ids, axis=0)          # [B, L, H]
    position_embeddings = jnp.take(pos_table, position_ids, axis=0)   # [L, H]
    embeddings = item_embeddings + position_embeddings[None, :, :]
    # LayerNorm over last dim, eps=1e-12
    mean = jnp.mean(embeddings, axis=-1, keepdims=True)
    var = jnp.mean(jnp.square(embeddings - mean), axis=-1, keepdims=True)
    normed = (embeddings - mean) / jnp.sqrt(var + EPS)
    out = normed * ln_gamma + ln_beta
    # dropout is identity in eval/reference mode
    return out

if __name__ == "__main__":
    import jax
    _d = setup_inputs()
    print(jax.jit(kernel)(*tuple(_d.values())))

</pallas_src>

<mosaic_0001>
#map = affine_map<(d0, d1) -> (0, 0, 0)>
#map1 = affine_map<(d0, d1) -> (0, 0)>
module attributes {stable_mosaic.version = 14 : i64} {
  func.func @k(%arg0: i32, %arg1: i32, %arg2: memref<32x50x128xi32, #tpu.memory_space<hbm>>, %arg3: memref<100000x128xf32, #tpu.memory_space<hbm>>, %arg4: memref<204800x128xf32, #tpu.memory_space<hbm>>, %arg5: memref<50x128xi32, #tpu.memory_space<vmem>>, %arg6: memref<128x128xf32, #tpu.memory_space<vmem>>, %arg7: memref<128x128xf32, #tpu.memory_space<vmem>>, %arg8: memref<128x128xf32, #tpu.memory_space<vmem>>, %arg9: memref<128x128xf32, #tpu.memory_space<vmem>>, %arg10: memref<128x128xf32, #tpu.memory_space<vmem>>, %arg11: memref<!tpu.dma_semaphore, #tpu.memory_space<semaphore_mem>>, %arg12: memref<!tpu.dma_semaphore, #tpu.memory_space<semaphore_mem>>, %arg13: memref<!tpu.dma_semaphore, #tpu.memory_space<semaphore_mem>>, %arg14: memref<!tpu.dma_semaphore, #tpu.memory_space<semaphore_mem>>, %arg15: memref<!tpu.dma_semaphore, #tpu.memory_space<semaphore_mem>>, %arg16: memref<!tpu.dma_semaphore, #tpu.memory_space<semaphore_mem>>, %arg17: memref<!tpu.dma_semaphore, #tpu.memory_space<semaphore_mem>>, %arg18: memref<!tpu.dma_semaphore, #tpu.memory_space<semaphore_mem>>, %arg19: memref<!tpu.dma_semaphore, #tpu.memory_space<semaphore_mem>>, %arg20: memref<!tpu.dma_semaphore, #tpu.memory_space<semaphore_mem>>) attributes {dimension_semantics = [#tpu.dimension_semantics<core_parallel>, #tpu.dimension_semantics<subcore_parallel>], iteration_bounds = array<i64: 2, 16>, scalar_prefetch = 0 : i64, scratch_operands = 16 : i64, tpu.core_type = #tpu.core_type<sc_vector_subcore>, window_params = [{transform_indices = #map}, {transform_indices = #map1}, {transform_indices = #map1}]} {
    %mul3A = arith.constant 2 : i32
    %mul3A_0 = arith.muli %arg1, %mul3A : i32
    %add3A = arith.addi %mul3A_0, %arg0 : i32
    %mul3A_1 = arith.constant 6400 : i32
    %mul3A_2 = arith.muli %add3A, %mul3A_1 : i32
    "tpu.region"() ({
      %run_scoped3A = tpu.sem_alloc : memref<!tpu.dma_semaphore, #tpu.memory_space<semaphore_mem>>
      %dma_start3A_39 = arith.constant 0 : i32
      %dma_start3A_40 = arith.constant 0 : i32
      %dma_start3A_41 = tpu.memref_slice %arg2[%add3A, %dma_start3A_39, %dma_start3A_40] : memref<32x50x128xi32, #tpu.memory_space<hbm>> -> memref<1x50x128xi32, #tpu.memory_space<hbm>>
      %dma_start3A_42 = tpu.memref_squeeze %dma_start3A_41 : memref<1x50x128xi32, #tpu.memory_space<hbm>> -> memref<50x128xi32, #tpu.memory_space<hbm>>
      %dma_start3A_43 = arith.constant 0 : i32
      %dma_start3A_44 = arith.constant 0 : i32
      %dma_start3A_45 = tpu.memref_slice %arg2[%add3A, %dma_start3A_43, %dma_start3A_44] : memref<32x50x128xi32, #tpu.memory_space<hbm>> -> memref<1x50x128xi32, #tpu.memory_space<hbm>>
      %dma_start3A_46 = tpu.memref_squeeze %dma_start3A_45 : memref<1x50x128xi32, #tpu.memory_space<hbm>> -> memref<50x128xi32, #tpu.memory_space<hbm>>
      tpu.enqueue_dma source(%dma_start3A_46 : memref<50x128xi32, #tpu.memory_space<hbm>>) target(%arg5 : memref<50x128xi32, #tpu.memory_space<vmem>>) target_semaphore(%run_scoped3A : memref<!tpu.dma_semaphore, #tpu.memory_space<semaphore_mem>>)
      %dma_wait3A_47 = arith.constant 0 : i32
      %dma_wait3A_48 = arith.constant 0 : i32
      %dma_wait3A_49 = tpu.memref_slice %arg2[%add3A, %dma_wait3A_47, %dma_wait3A_48] : memref<32x50x128xi32, #tpu.memory_space<hbm>> -> memref<1x50x128xi32, #tpu.memory_space<hbm>>
      %dma_wait3A_50 = tpu.memref_squeeze %dma_wait3A_49 : memref<1x50x128xi32, #tpu.memory_space<hbm>> -> memref<50x128xi32, #tpu.memory_space<hbm>>
      %dma_wait3A_51 = arith.constant 0 : i32
      %dma_wait3A_52 = arith.constant 0 : i32
      %dma_wait3A_53 = tpu.memref_slice %arg2[%add3A, %dma_wait3A_51, %dma_wait3A_52] : memref<32x50x128xi32, #tpu.memory_space<hbm>> -> memref<1x50x128xi32, #tpu.memory_space<hbm>>
      %dma_wait3A_54 = tpu.memref_squeeze %dma_wait3A_53 : memref<1x50x128xi32, #tpu.memory_space<hbm>> -> memref<50x128xi32, #tpu.memory_space<hbm>>
      tpu.wait_dma2 semaphore(%run_scoped3A : memref<!tpu.dma_semaphore, #tpu.memory_space<semaphore_mem>>) src(%dma_wait3A_54 : memref<50x128xi32, #tpu.memory_space<hbm>>) dst(%arg5 : memref<50x128xi32, #tpu.memory_space<vmem>>)
      tpu.yield
    }) : () -> ()
    %dma_start3A = arith.constant 0 : i32
    %dma_start3A_3 = arith.constant 0 : i32
    %dma_start3A_4 = tpu.memref_slice %arg5[%dma_start3A, %dma_start3A_3] : memref<50x128xi32, #tpu.memory_space<vmem>> -> memref<1x128xi32, #tpu.memory_space<vmem>>
    %dma_start3A_5 = tpu.memref_squeeze %dma_start3A_4 : memref<1x128xi32, #tpu.memory_space<vmem>> -> memref<128xi32, #tpu.memory_space<vmem>>
    %dma_start3A_6 = arith.constant 0 : i32
    %dma_start3A_7 = arith.constant 0 : i32
    %dma_start3A_8 = tpu.memref_slice %arg3[%dma_start3A_6, %dma_start3A_7] : memref<100000x128xf32, #tpu.memory_space<hbm>> -> memref<100000x128xf32, #tpu.memory_space<hbm>>
    tpu.enqueue_indirect_dma source(%dma_start3A_8 : memref<100000x128xf32, #tpu.memory_space<hbm>>) target(%arg6 : memref<128x128xf32, #tpu.memory_space<vmem>>) offsets(%dma_start3A_5 : memref<128xi32, #tpu.memory_space<vmem>>) semaphore(%arg11 : memref<!tpu.dma_semaphore, #tpu.memory_space<semaphore_mem>>)
    %dma_start3A_9 = arith.constant 1 : i32
    %dma_start3A_10 = arith.constant 0 : i32
    %dma_start3A_11 = tpu.memref_slice %arg5[%dma_start3A_9, %dma_start3A_10] : memref<50x128xi32, #tpu.memory_space<vmem>> -> memref<1x128xi32, #tpu.memory_space<vmem>>
    %dma_start3A_12 = tpu.memref_squeeze %dma_start3A_11 : memref<1x128xi32, #tpu.memory_space<vmem>> -> memref<128xi32, #tpu.memory_space<vmem>>
    %dma_start3A_13 = arith.constant 0 : i32
    %dma_start3A_14 = arith.constant 0 : i32
    %dma_start3A_15 = tpu.memref_slice %arg3[%dma_start3A_13, %dma_start3A_14] : memref<100000x128xf32, #tpu.memory_space<hbm>> -> memref<100000x128xf32, #tpu.memory_space<hbm>>
    tpu.enqueue_indirect_dma source(%dma_start3A_15 : memref<100000x128xf32, #tpu.memory_space<hbm>>) target(%arg7 : memref<128x128xf32, #tpu.memory_space<vmem>>) offsets(%dma_start3A_12 : memref<128xi32, #tpu.memory_space<vmem>>) semaphore(%arg12 : memref<!tpu.dma_semaphore, #tpu.memory_space<semaphore_mem>>)
    %dma_start3A_16 = arith.constant 2 : i32
    %dma_start3A_17 = arith.constant 0 : i32
    %dma_start3A_18 = tpu.memref_slice %arg5[%dma_start3A_16, %dma_start3A_17] : memref<50x128xi32, #tpu.memory_space<vmem>> -> memref<1x128xi32, #tpu.memory_space<vmem>>
    %dma_start3A_19 = tpu.memref_squeeze %dma_start3A_18 : memref<1x128xi32, #tpu.memory_space<vmem>> -> memref<128xi32, #tpu.memory_space<vmem>>
    %dma_start3A_20 = arith.constant 0 : i32
    %dma_start3A_21 = arith.constant 0 : i32
    %dma_start3A_22 = tpu.memref_slice %arg3[%dma_start3A_20, %dma_start3A_21] : memref<100000x128xf32, #tpu.memory_space<hbm>> -> memref<100000x128xf32, #tpu.memory_space<hbm>>
    tpu.enqueue_indirect_dma source(%dma_start3A_22 : memref<100000x128xf32, #tpu.memory_space<hbm>>) target(%arg8 : memref<128x128xf32, #tpu.memory_space<vmem>>) offsets(%dma_start3A_19 : memref<128xi32, #tpu.memory_space<vmem>>) semaphore(%arg13 : memref<!tpu.dma_semaphore, #tpu.memory_space<semaphore_mem>>)
    %scan3A = arith.constant 0 : i32
    %scan3A_23 = arith.constant 0 : i32
    %scan3A_24 = arith.constant 10 : i32
    %scan3A_25 = arith.addi %scan3A_23, %scan3A_24 : i32
    %scan3A_26 = arith.constant 1 : i32
    scf.for %scan3A_39 = %scan3A_23 to %scan3A_25 step %scan3A_26  : i32 {
      %mul3A_40 = arith.constant 5 : i32
      %mul3A_41 = arith.muli %mul3A_40, %scan3A_39 : i32
      %add3A_42 = arith.constant 0 : i32
      %add3A_43 = arith.addi %mul3A_41, %add3A_42 : i32
      %add3A_44 = arith.constant 3 : i32
      %add3A_45 = arith.addi %add3A_43, %add3A_44 : i32
      %lt3A = arith.constant 50 : i32
      %lt3A_46 = arith.cmpi slt, %add3A_45, %lt3A : i32
      %convert_element_type3A = arith.extui %lt3A_46 : i1 to i32
      %cond3A = arith.constant 0 : i32
      %cond3A_47 = arith.cmpi ne, %convert_element_type3A, %cond3A : i32
      scf.if %cond3A_47 {
        %ge3A = arith.constant 2 : i32
        %ge3A_157 = arith.cmpi sge, %add3A_43, %ge3A : i32
        %convert_element_type3A_158 = arith.extui %ge3A_157 : i1 to i32
        %cond3A_159 = arith.constant 0 : i32
        %cond3A_160 = arith.cmpi ne, %convert_element_type3A_158, %cond3A_159 : i32
        scf.if %cond3A_160 {
          %dma_wait3A_169 = arith.constant 0 : i32
          %dma_wait3A_170 = arith.constant 0 : i32
          %dma_wait3A_171 = tpu.memref_slice %arg4[%dma_wait3A_169, %dma_wait3A_170] : memref<204800x128xf32, #tpu.memory_space<hbm>> -> memref<128x128xf32, #tpu.memory_space<hbm>>
          %dma_wait3A_172 = arith.constant 0 : i32
          %dma_wait3A_173 = arith.constant 0 : i32
          %dma_wait3A_174 = tpu.memref_slice %arg4[%dma_wait3A_172, %dma_wait3A_173] : memref<204800x128xf32, #tpu.memory_space<hbm>> -> memref<128x128xf32, #tpu.memory_space<hbm>>
          tpu.wait_dma2 semaphore(%arg19 : memref<!tpu.dma_semaphore, #tpu.memory_space<semaphore_mem>>) src(%arg9 : memref<128x128xf32, #tpu.memory_space<vmem>>) dst(%dma_wait3A_174 : memref<128x128xf32, #tpu.memory_space<hbm>>)
        } else {
        }
        %add3A_161 = arith.constant 3 : i32
        %add3A_162 = arith.addi %add3A_43, %add3A_161 : i32
        %dma_start3A_163 = arith.constant 0 : i32
        %dma_start3A_164 = tpu.memref_slice %arg5[%add3A_162, %dma_start3A_163] : memref<50x128xi32, #tpu.memory_space<vmem>> -> memref<1x128xi32, #tpu.memory_space<vmem>>
        %dma_start3A_165 = tpu.memref_squeeze %dma_start3A_164 : memref<1x128xi32, #tpu.memory_space<vmem>> -> memref<128xi32, #tpu.memory_space<vmem>>
        %dma_start3A_166 = arith.constant 0 : i32
        %dma_start3A_167 = arith.constant 0 : i32
        %dma_start3A_168 = tpu.memref_slice %arg3[%dma_start3A_166, %dma_start3A_167] : memref<100000x128xf32, #tpu.memory_space<hbm>> -> memref<100000x128xf32, #tpu.memory_space<hbm>>
        tpu.enqueue_indirect_dma source(%dma_start3A_168 : memref<100000x128xf32, #tpu.memory_space<hbm>>) target(%arg9 : memref<128x128xf32, #tpu.memory_space<vmem>>) offsets(%dma_start3A_165 : memref<128xi32, #tpu.memory_space<vmem>>) semaphore(%arg14 : memref<!tpu.dma_semaphore, #tpu.memory_space<semaphore_mem>>)
      } else {
      }
      %dma_wait3A_48 = arith.constant 0 : i32
      %dma_wait3A_49 = arith.constant 0 : i32
      %dma_wait3A_50 = tpu.memref_slice %arg3[%dma_wait3A_48, %dma_wait3A_49] : memref<100000x128xf32, #tpu.memory_space<hbm>> -> memref<128x128xf32, #tpu.memory_space<hbm>>
      %dma_wait3A_51 = arith.constant 0 : i32
      %dma_wait3A_52 = arith.constant 0 : i32
      %dma_wait3A_53 = tpu.memref_slice %arg3[%dma_wait3A_51, %dma_wait3A_52] : memref<100000x128xf32, #tpu.memory_space<hbm>> -> memref<128x128xf32, #tpu.memory_space<hbm>>
      tpu.wait_dma2 semaphore(%arg11 : memref<!tpu.dma_semaphore, #tpu.memory_space<semaphore_mem>>) src(%dma_wait3A_53 : memref<128x128xf32, #tpu.memory_space<hbm>>) dst(%arg6 : memref<128x128xf32, #tpu.memory_space<vmem>>)
      %mul3A_54 = arith.constant 128 : i32
      %mul3A_55 = arith.muli %add3A_43, %mul3A_54 : i32
      %add3A_56 = arith.addi %mul3A_2, %mul3A_55 : i32
      %dma_start3A_57 = arith.constant 0 : i32
      %dma_start3A_58 = tpu.memref_slice %arg4[%add3A_56, %dma_start3A_57] : memref<204800x128xf32, #tpu.memory_space<hbm>> -> memref<128x128xf32, #tpu.memory_space<hbm>>
      %dma_start3A_59 = arith.constant 0 : i32
      %dma_start3A_60 = tpu.memref_slice %arg4[%add3A_56, %dma_start3A_59] : memref<204800x128xf32, #tpu.memory_space<hbm>> -> memref<128x128xf32, #tpu.memory_space<hbm>>
      tpu.enqueue_dma source(%arg6 : memref<128x128xf32, #tpu.memory_space<vmem>>) target(%dma_start3A_60 : memref<128x128xf32, #tpu.memory_space<hbm>>) target_semaphore(%arg16 : memref<!tpu.dma_semaphore, #tpu.memory_space<semaphore_mem>>)
      %mul3A_61 = arith.constant 5 : i32
      %mul3A_62 = arith.muli %mul3A_61, %scan3A_39 : i32
      %add3A_63 = arith.constant 1 : i32
      %add3A_64 = arith.addi %mul3A_62, %add3A_63 : i32
      %add3A_65 = arith.constant 3 : i32
      %add3A_66 = arith.addi %add3A_64, %add3A_65 : i32
      %lt3A_67 = arith.constant 50 : i32
      %lt3A_68 = arith.cmpi slt, %add3A_66, %lt3A_67 : i32
      %convert_element_type3A_69 = arith.extui %lt3A_68 : i1 to i32
      %cond3A_70 = arith.constant 0 : i32
      %cond3A_71 = arith.cmpi ne, %convert_element_type3A_69, %cond3A_70 : i32
      scf.if %cond3A_71 {
        %ge3A = arith.constant 2 : i32
        %ge3A_157 = arith.cmpi sge, %add3A_64, %ge3A : i32
        %convert_element_type3A_158 = arith.extui %ge3A_157 : i1 to i32
        %cond3A_159 = arith.constant 0 : i32
        %cond3A_160 = arith.cmpi ne, %convert_element_type3A_158, %cond3A_159 : i32
        scf.if %cond3A_160 {
          %dma_wait3A_169 = arith.constant 0 : i32
          %dma_wait3A_170 = arith.constant 0 : i32
          %dma_wait3A_171 = tpu.memref_slice %arg4[%dma_wait3A_169, %dma_wait3A_170] : memref<204800x128xf32, #tpu.memory_space<hbm>> -> memref<128x128xf32, #tpu.memory_space<hbm>>
          %dma_wait3A_172 = arith.constant 0 : i32
          %dma_wait3A_173 = arith.constant 0 : i32
          %dma_wait3A_174 = tpu.memref_slice %arg4[%dma_wait3A_172, %dma_wait3A_173] : memref<204800x128xf32, #tpu.memory_space<hbm>> -> memref<128x128xf32, #tpu.memory_space<hbm>>
          tpu.wait_dma2 semaphore(%arg20 : memref<!tpu.dma_semaphore, #tpu.memory_space<semaphore_mem>>) src(%arg10 : memref<128x128xf32, #tpu.memory_space<vmem>>) dst(%dma_wait3A_174 : memref<128x128xf32, #tpu.memory_space<hbm>>)
        } else {
        }
        %add3A_161 = arith.constant 3 : i32
        %add3A_162 = arith.addi %add3A_64, %add3A_161 : i32
        %dma_start3A_163 = arith.constant 0 : i32
        %dma_start3A_164 = tpu.memref_slice %arg5[%add3A_162, %dma_start3A_163] : memref<50x128xi32, #tpu.memory_space<vmem>> -> memref<1x128xi32, #tpu.memory_space<vmem>>
        %dma_start3A_165 = tpu.memref_squeeze %dma_start3A_164 : memref<1x128xi32, #tpu.memory_space<vmem>> -> memref<128xi32, #tpu.memory_space<vmem>>
        %dma_start3A_166 = arith.constant 0 : i32
        %dma_start3A_167 = arith.constant 0 : i32
        %dma_start3A_168 = tpu.memref_slice %arg3[%dma_start3A_166, %dma_start3A_167] : memref<100000x128xf32, #tpu.memory_space<hbm>> -> memref<100000x128xf32, #tpu.memory_space<hbm>>
        tpu.enqueue_indirect_dma source(%dma_start3A_168 : memref<100000x128xf32, #tpu.memory_space<hbm>>) target(%arg10 : memref<128x128xf32, #tpu.memory_space<vmem>>) offsets(%dma_start3A_165 : memref<128xi32, #tpu.memory_space<vmem>>) semaphore(%arg15 : memref<!tpu.dma_semaphore, #tpu.memory_space<semaphore_mem>>)
      } else {
      }
      %dma_wait3A_72 = arith.constant 0 : i32
      %dma_wait3A_73 = arith.constant 0 : i32
      %dma_wait3A_74 = tpu.memref_slice %arg3[%dma_wait3A_72, %dma_wait3A_73] : memref<100000x128xf32, #tpu.memory_space<hbm>> -> memref<128x128xf32, #tpu.memory_space<hbm>>
      %dma_wait3A_75 = arith.constant 0 : i32
      %dma_wait3A_76 = arith.constant 0 : i32
      %dma_wait3A_77 = tpu.memref_slice %arg3[%dma_wait3A_75, %dma_wait3A_76] : memref<100000x128xf32, #tpu.memory_space<hbm>> -> memref<128x128xf32, #tpu.memory_space<hbm>>
      tpu.wait_dma2 semaphore(%arg12 : memref<!tpu.dma_semaphore, #tpu.memory_space<semaphore_mem>>) src(%dma_wait3A_77 : memref<128x128xf32, #tpu.memory_space<hbm>>) dst(%arg7 : memref<128x128xf32, #tpu.memory_space<vmem>>)
      %mul3A_78 = arith.constant 128 : i32
      %mul3A_79 = arith.muli %add3A_64, %mul3A_78 : i32
      %add3A_80 = arith.addi %mul3A_2, %mul3A_79 : i32
      %dma_start3A_81 = arith.constant 0 : i32
      %dma_start3A_82 = tpu.memref_slice %arg4[%add3A_80, %dma_start3A_81] : memref<204800x128xf32, #tpu.memory_space<hbm>> -> memref<128x128xf32, #tpu.memory_space<hbm>>
      %dma_start3A_83 = arith.constant 0 : i32
      %dma_start3A_84 = tpu.memref_slice %arg4[%add3A_80, %dma_start3A_83] : memref<204800x128xf32, #tpu.memory_space<hbm>> -> memref<128x128xf32, #tpu.memory_space<hbm>>
      tpu.enqueue_dma source(%arg7 : memref<128x128xf32, #tpu.memory_space<vmem>>) target(%dma_start3A_84 : memref<128x128xf32, #tpu.memory_space<hbm>>) target_semaphore(%arg17 : memref<!tpu.dma_semaphore, #tpu.memory_space<semaphore_mem>>)
      %mul3A_85 = arith.constant 5 : i32
      %mul3A_86 = arith.muli %mul3A_85, %scan3A_39 : i32
      %add3A_87 = arith.constant 2 : i32
      %add3A_88 = arith.addi %mul3A_86, %add3A_87 : i32
      %add3A_89 = arith.constant 3 : i32
      %add3A_90 = arith.addi %add3A_88, %add3A_89 : i32
      %lt3A_91 = arith.constant 50 : i32
      %lt3A_92 = arith.cmpi slt, %add3A_90, %lt3A_91 : i32
      %convert_element_type3A_93 = arith.extui %lt3A_92 : i1 to i32
      %cond3A_94 = arith.constant 0 : i32
      %cond3A_95 = arith.cmpi ne, %convert_element_type3A_93, %cond3A_94 : i32
      scf.if %cond3A_95 {
        %ge3A = arith.constant 2 : i32
        %ge3A_157 = arith.cmpi sge, %add3A_88, %ge3A : i32
        %convert_element_type3A_158 = arith.extui %ge3A_157 : i1 to i32
        %cond3A_159 = arith.constant 0 : i32
        %cond3A_160 = arith.cmpi ne, %convert_element_type3A_158, %cond3A_159 : i32
        scf.if %cond3A_160 {
          %dma_wait3A_169 = arith.constant 0 : i32
          %dma_wait3A_170 = arith.constant 0 : i32
          %dma_wait3A_171 = tpu.memref_slice %arg4[%dma_wait3A_169, %dma_wait3A_170] : memref<204800x128xf32, #tpu.memory_space<hbm>> -> memref<128x128xf32, #tpu.memory_space<hbm>>
          %dma_wait3A_172 = arith.constant 0 : i32
          %dma_wait3A_173 = arith.constant 0 : i32
          %dma_wait3A_174 = tpu.memref_slice %arg4[%dma_wait3A_172, %dma_wait3A_173] : memref<204800x128xf32, #tpu.memory_space<hbm>> -> memref<128x128xf32, #tpu.memory_space<hbm>>
          tpu.wait_dma2 semaphore(%arg16 : memref<!tpu.dma_semaphore, #tpu.memory_space<semaphore_mem>>) src(%arg6 : memref<128x128xf32, #tpu.memory_space<vmem>>) dst(%dma_wait3A_174 : memref<128x128xf32, #tpu.memory_space<hbm>>)
        } else {
        }
        %add3A_161 = arith.constant 3 : i32
        %add3A_162 = arith.addi %add3A_88, %add3A_161 : i32
        %dma_start3A_163 = arith.constant 0 : i32
        %dma_start3A_164 = tpu.memref_slice %arg5[%add3A_162, %dma_start3A_163] : memref<50x128xi32, #tpu.memory_space<vmem>> -> memref<1x128xi32, #tpu.memory_space<vmem>>
        %dma_start3A_165 = tpu.memref_squeeze %dma_start3A_164 : memref<1x128xi32, #tpu.memory_space<vmem>> -> memref<128xi32, #tpu.memory_space<vmem>>
        %dma_start3A_166 = arith.constant 0 : i32
        %dma_start3A_167 = arith.constant 0 : i32
        %dma_start3A_168 = tpu.memref_slice %arg3[%dma_start3A_166, %dma_start3A_167] : memref<100000x128xf32, #tpu.memory_space<hbm>> -> memref<100000x128xf32, #tpu.memory_space<hbm>>
        tpu.enqueue_indirect_dma source(%dma_start3A_168 : memref<100000x128xf32, #tpu.memory_space<hbm>>) target(%arg6 : memref<128x128xf32, #tpu.memory_space<vmem>>) offsets(%dma_start3A_165 : memref<128xi32, #tpu.memory_space<vmem>>) semaphore(%arg11 : memref<!tpu.dma_semaphore, #tpu.memory_space<semaphore_mem>>)
      } else {
      }
      %dma_wait3A_96 = arith.constant 0 : i32
      %dma_wait3A_97 = arith.constant 0 : i32
      %dma_wait3A_98 = tpu.memref_slice %arg3[%dma_wait3A_96, %dma_wait3A_97] : memref<100000x128xf32, #tpu.memory_space<hbm>> -> memref<128x128xf32, #tpu.memory_space<hbm>>
      %dma_wait3A_99 = arith.constant 0 : i32
      %dma_wait3A_100 = arith.constant 0 : i32
      %dma_wait3A_101 = tpu.memref_slice %arg3[%dma_wait3A_99, %dma_wait3A_100] : memref<100000x128xf32, #tpu.memory_space<hbm>> -> memref<128x128xf32, #tpu.memory_space<hbm>>
      tpu.wait_dma2 semaphore(%arg13 : memref<!tpu.dma_semaphore, #tpu.memory_space<semaphore_mem>>) src(%dma_wait3A_101 : memref<128x128xf32, #tpu.memory_space<hbm>>) dst(%arg8 : memref<128x128xf32, #tpu.memory_space<vmem>>)
      %mul3A_102 = arith.constant 128 : i32
      %mul3A_103 = arith.muli %add3A_88, %mul3A_102 : i32
      %add3A_104 = arith.addi %mul3A_2, %mul3A_103 : i32
      %dma_start3A_105 = arith.constant 0 : i32
      %dma_start3A_106 = tpu.memref_slice %arg4[%add3A_104, %dma_start3A_105] : memref<204800x128xf32, #tpu.memory_space<hbm>> -> memref<128x128xf32, #tpu.memory_space<hbm>>
      %dma_start3A_107 = arith.constant 0 : i32
      %dma_start3A_108 = tpu.memref_slice %arg4[%add3A_104, %dma_start3A_107] : memref<204800x128xf32, #tpu.memory_space<hbm>> -> memref<128x128xf32, #tpu.memory_space<hbm>>
      tpu.enqueue_dma source(%arg8 : memref<128x128xf32, #tpu.memory_space<vmem>>) target(%dma_start3A_108 : memref<128x128xf32, #tpu.memory_space<hbm>>) target_semaphore(%arg18 : memref<!tpu.dma_semaphore, #tpu.memory_space<semaphore_mem>>)
      %mul3A_109 = arith.constant 5 : i32
      %mul3A_110 = arith.muli %mul3A_109, %scan3A_39 : i32
      %add3A_111 = arith.constant 3 : i32
      %add3A_112 = arith.addi %mul3A_110, %add3A_111 : i32
      %add3A_113 = arith.constant 3 : i32
      %add3A_114 = arith.addi %add3A_112, %add3A_113 : i32
      %lt3A_115 = arith.constant 50 : i32
      %lt3A_116 = arith.cmpi slt, %add3A_114, %lt3A_115 : i32
      %convert_element_type3A_117 = arith.extui %lt3A_116 : i1 to i32
      %cond3A_118 = arith.constant 0 : i32
      %cond3A_119 = arith.cmpi ne, %convert_element_type3A_117, %cond3A_118 : i32
      scf.if %cond3A_119 {
        %ge3A = arith.constant 2 : i32
        %ge3A_157 = arith.cmpi sge, %add3A_112, %ge3A : i32
        %convert_element_type3A_158 = arith.extui %ge3A_157 : i1 to i32
        %cond3A_159 = arith.constant 0 : i32
        %cond3A_160 = arith.cmpi ne, %convert_element_type3A_158, %cond3A_159 : i32
        scf.if %cond3A_160 {
          %dma_wait3A_169 = arith.constant 0 : i32
          %dma_wait3A_170 = arith.constant 0 : i32
          %dma_wait3A_171 = tpu.memref_slice %arg4[%dma_wait3A_169, %dma_wait3A_170] : memref<204800x128xf32, #tpu.memory_space<hbm>> -> memref<128x128xf32, #tpu.memory_space<hbm>>
          %dma_wait3A_172 = arith.constant 0 : i32
          %dma_wait3A_173 = arith.constant 0 : i32
          %dma_wait3A_174 = tpu.memref_slice %arg4[%dma_wait3A_172, %dma_wait3A_173] : memref<204800x128xf32, #tpu.memory_space<hbm>> -> memref<128x128xf32, #tpu.memory_space<hbm>>
          tpu.wait_dma2 semaphore(%arg17 : memref<!tpu.dma_semaphore, #tpu.memory_space<semaphore_mem>>) src(%arg7 : memref<128x128xf32, #tpu.memory_space<vmem>>) dst(%dma_wait3A_174 : memref<128x128xf32, #tpu.memory_space<hbm>>)
        } else {
        }
        %add3A_161 = arith.constant 3 : i32
        %add3A_162 = arith.addi %add3A_112, %add3A_161 : i32
        %dma_start3A_163 = arith.constant 0 : i32
        %dma_start3A_164 = tpu.memref_slice %arg5[%add3A_162, %dma_start3A_163] : memref<50x128xi32, #tpu.memory_space<vmem>> -> memref<1x128xi32, #tpu.memory_space<vmem>>
        %dma_start3A_165 = tpu.memref_squeeze %dma_start3A_164 : memref<1x128xi32, #tpu.memory_space<vmem>> -> memref<128xi32, #tpu.memory_space<vmem>>
        %dma_start3A_166 = arith.constant 0 : i32
        %dma_start3A_167 = arith.constant 0 : i32
        %dma_start3A_168 = tpu.memref_slice %arg3[%dma_start3A_166, %dma_start3A_167] : memref<100000x128xf32, #tpu.memory_space<hbm>> -> memref<100000x128xf32, #tpu.memory_space<hbm>>
        tpu.enqueue_indirect_dma source(%dma_start3A_168 : memref<100000x128xf32, #tpu.memory_space<hbm>>) target(%arg7 : memref<128x128xf32, #tpu.memory_space<vmem>>) offsets(%dma_start3A_165 : memref<128xi32, #tpu.memory_space<vmem>>) semaphore(%arg12 : memref<!tpu.dma_semaphore, #tpu.memory_space<semaphore_mem>>)
      } else {
      }
      %dma_wait3A_120 = arith.constant 0 : i32
      %dma_wait3A_121 = arith.constant 0 : i32
      %dma_wait3A_122 = tpu.memref_slice %arg3[%dma_wait3A_120, %dma_wait3A_121] : memref<100000x128xf32, #tpu.memory_space<hbm>> -> memref<128x128xf32, #tpu.memory_space<hbm>>
      %dma_wait3A_123 = arith.constant 0 : i32
      %dma_wait3A_124 = arith.constant 0 : i32
      %dma_wait3A_125 = tpu.memref_slice %arg3[%dma_wait3A_123, %dma_wait3A_124] : memref<100000x128xf32, #tpu.memory_space<hbm>> -> memref<128x128xf32, #tpu.memory_space<hbm>>
      tpu.wait_dma2 semaphore(%arg14 : memref<!tpu.dma_semaphore, #tpu.memory_space<semaphore_mem>>) src(%dma_wait3A_125 : memref<128x128xf32, #tpu.memory_space<hbm>>) dst(%arg9 : memref<128x128xf32, #tpu.memory_space<vmem>>)
      %mul3A_126 = arith.constant 128 : i32
      %mul3A_127 = arith.muli %add3A_112, %mul3A_126 : i32
      %add3A_128 = arith.addi %mul3A_2, %mul3A_127 : i32
      %dma_start3A_129 = arith.constant 0 : i32
      %dma_start3A_130 = tpu.memref_slice %arg4[%add3A_128, %dma_start3A_129] : memref<204800x128xf32, #tpu.memory_space<hbm>> -> memref<128x128xf32, #tpu.memory_space<hbm>>
      %dma_start3A_131 = arith.constant 0 : i32
      %dma_start3A_132 = tpu.memref_slice %arg4[%add3A_128, %dma_start3A_131] : memref<204800x128xf32, #tpu.memory_space<hbm>> -> memref<128x128xf32, #tpu.memory_space<hbm>>
      tpu.enqueue_dma source(%arg9 : memref<128x128xf32, #tpu.memory_space<vmem>>) target(%dma_start3A_132 : memref<128x128xf32, #tpu.memory_space<hbm>>) target_semaphore(%arg19 : memref<!tpu.dma_semaphore, #tpu.memory_space<semaphore_mem>>)
      %mul3A_133 = arith.constant 5 : i32
      %mul3A_134 = arith.muli %mul3A_133, %scan3A_39 : i32
      %add3A_135 = arith.constant 4 : i32
      %add3A_136 = arith.addi %mul3A_134, %add3A_135 : i32
      %add3A_137 = arith.constant 3 : i32
      %add3A_138 = arith.addi %add3A_136, %add3A_137 : i32
      %lt3A_139 = arith.constant 50 : i32
      %lt3A_140 = arith.cmpi slt, %add3A_138, %lt3A_139 : i32
      %convert_element_type3A_141 = arith.extui %lt3A_140 : i1 to i32
      %cond3A_142 = arith.constant 0 : i32
      %cond3A_143 = arith.cmpi ne, %convert_element_type3A_141, %cond3A_142 : i32
      scf.if %cond3A_143 {
        %ge3A = arith.constant 2 : i32
        %ge3A_157 = arith.cmpi sge, %add3A_136, %ge3A : i32
        %convert_element_type3A_158 = arith.extui %ge3A_157 : i1 to i32
        %cond3A_159 = arith.constant 0 : i32
        %cond3A_160 = arith.cmpi ne, %convert_element_type3A_158, %cond3A_159 : i32
        scf.if %cond3A_160 {
          %dma_wait3A_169 = arith.constant 0 : i32
          %dma_wait3A_170 = arith.constant 0 : i32
          %dma_wait3A_171 = tpu.memref_slice %arg4[%dma_wait3A_169, %dma_wait3A_170] : memref<204800x128xf32, #tpu.memory_space<hbm>> -> memref<128x128xf32, #tpu.memory_space<hbm>>
          %dma_wait3A_172 = arith.constant 0 : i32
          %dma_wait3A_173 = arith.constant 0 : i32
          %dma_wait3A_174 = tpu.memref_slice %arg4[%dma_wait3A_172, %dma_wait3A_173] : memref<204800x128xf32, #tpu.memory_space<hbm>> -> memref<128x128xf32, #tpu.memory_space<hbm>>
          tpu.wait_dma2 semaphore(%arg18 : memref<!tpu.dma_semaphore, #tpu.memory_space<semaphore_mem>>) src(%arg8 : memref<128x128xf32, #tpu.memory_space<vmem>>) dst(%dma_wait3A_174 : memref<128x128xf32, #tpu.memory_space<hbm>>)
        } else {
        }
        %add3A_161 = arith.constant 3 : i32
        %add3A_162 = arith.addi %add3A_136, %add3A_161 : i32
        %dma_start3A_163 = arith.constant 0 : i32
        %dma_start3A_164 = tpu.memref_slice %arg5[%add3A_162, %dma_start3A_163] : memref<50x128xi32, #tpu.memory_space<vmem>> -> memref<1x128xi32, #tpu.memory_space<vmem>>
        %dma_start3A_165 = tpu.memref_squeeze %dma_start3A_164 : memref<1x128xi32, #tpu.memory_space<vmem>> -> memref<128xi32, #tpu.memory_space<vmem>>
        %dma_start3A_166 = arith.constant 0 : i32
        %dma_start3A_167 = arith.constant 0 : i32
        %dma_start3A_168 = tpu.memref_slice %arg3[%dma_start3A_166, %dma_start3A_167] : memref<100000x128xf32, #tpu.memory_space<hbm>> -> memref<100000x128xf32, #tpu.memory_space<hbm>>
        tpu.enqueue_indirect_dma source(%dma_start3A_168 : memref<100000x128xf32, #tpu.memory_space<hbm>>) target(%arg8 : memref<128x128xf32, #tpu.memory_space<vmem>>) offsets(%dma_start3A_165 : memref<128xi32, #tpu.memory_space<vmem>>) semaphore(%arg13 : memref<!tpu.dma_semaphore, #tpu.memory_space<semaphore_mem>>)
      } else {
      }
      %dma_wait3A_144 = arith.constant 0 : i32
      %dma_wait3A_145 = arith.constant 0 : i32
      %dma_wait3A_146 = tpu.memref_slice %arg3[%dma_wait3A_144, %dma_wait3A_145] : memref<100000x128xf32, #tpu.memory_space<hbm>> -> memref<128x128xf32, #tpu.memory_space<hbm>>
      %dma_wait3A_147 = arith.constant 0 : i32
      %dma_wait3A_148 = arith.constant 0 : i32
      %dma_wait3A_149 = tpu.memref_slice %arg3[%dma_wait3A_147, %dma_wait3A_148] : memref<100000x128xf32, #tpu.memory_space<hbm>> -> memref<128x128xf32, #tpu.memory_space<hbm>>
      tpu.wait_dma2 semaphore(%arg15 : memref<!tpu.dma_semaphore, #tpu.memory_space<semaphore_mem>>) src(%dma_wait3A_149 : memref<128x128xf32, #tpu.memory_space<hbm>>) dst(%arg10 : memref<128x128xf32, #tpu.memory_space<vmem>>)
      %mul3A_150 = arith.constant 128 : i32
      %mul3A_151 = arith.muli %add3A_136, %mul3A_150 : i32
      %add3A_152 = arith.addi %mul3A_2, %mul3A_151 : i32
      %dma_start3A_153 = arith.constant 0 : i32
      %dma_start3A_154 = tpu.memref_slice %arg4[%add3A_152, %dma_start3A_153] : memref<204800x128xf32, #tpu.memory_space<hbm>> -> memref<128x128xf32, #tpu.memory_space<hbm>>
      %dma_start3A_155 = arith.constant 0 : i32
      %dma_start3A_156 = tpu.memref_slice %arg4[%add3A_152, %dma_start3A_155] : memref<204800x128xf32, #tpu.memory_space<hbm>> -> memref<128x128xf32, #tpu.memory_space<hbm>>
      tpu.enqueue_dma source(%arg10 : memref<128x128xf32, #tpu.memory_space<vmem>>) target(%dma_start3A_156 : memref<128x128xf32, #tpu.memory_space<hbm>>) target_semaphore(%arg20 : memref<!tpu.dma_semaphore, #tpu.memory_space<semaphore_mem>>)
    }
    %scan3A_27 = arith.constant 10 : i32
    %dma_wait3A = arith.constant 0 : i32
    %dma_wait3A_28 = arith.constant 0 : i32
    %dma_wait3A_29 = tpu.memref_slice %arg4[%dma_wait3A, %dma_wait3A_28] : memref<204800x128xf32, #tpu.memory_space<hbm>> -> memref<128x128xf32, #tpu.memory_space<hbm>>
    %dma_wait3A_30 = arith.constant 0 : i32
    %dma_wait3A_31 = arith.constant 0 : i32
    %dma_wait3A_32 = tpu.memref_slice %arg4[%dma_wait3A_30, %dma_wait3A_31] : memref<204800x128xf32, #tpu.memory_space<hbm>> -> memref<128x128xf32, #tpu.memory_space<hbm>>
    tpu.wait_dma2 semaphore(%arg19 : memref<!tpu.dma_semaphore, #tpu.memory_space<semaphore_mem>>) src(%arg9 : memref<128x128xf32, #tpu.memory_space<vmem>>) dst(%dma_wait3A_32 : memref<128x128xf32, #tpu.memory_space<hbm>>)
    %dma_wait3A_33 = arith.constant 0 : i32
    %dma_wait3A_34 = arith.constant 0 : i32
    %dma_wait3A_35 = tpu.memref_slice %arg4[%dma_wait3A_33, %dma_wait3A_34] : memref<204800x128xf32, #tpu.memory_space<hbm>> -> memref<128x128xf32, #tpu.memory_space<hbm>>
    %dma_wait3A_36 = arith.constant 0 : i32
    %dma_wait3A_37 = arith.constant 0 : i32
    %dma_wait3A_38 = tpu.memref_slice %arg4[%dma_wait3A_36, %dma_wait3A_37] : memref<204800x128xf32, #tpu.memory_space<hbm>> -> memref<128x128xf32, #tpu.memory_space<hbm>>
    tpu.wait_dma2 semaphore(%arg20 : memref<!tpu.dma_semaphore, #tpu.memory_space<semaphore_mem>>) src(%arg10 : memref<128x128xf32, #tpu.memory_space<vmem>>) dst(%dma_wait3A_38 : memref<128x128xf32, #tpu.memory_space<hbm>>)
    return
  }
}

</mosaic_0001>

<sc_bundles>
// kernel: _sc_gather.3.cloned.1.call-start
scs
__scs_entry_jumppad:
0x0: {  	(pc) =	sbr.rel $0x88, $3  }
0x1: {  	(tag) =	ssettag $0x0;
	lr =	simm.s32 $0x1  }
0x2: {  	[smem:$0x3F9F] =	sst lr;
	_ =	strace $0xD0000000  }
0x3: {  	_ = 	snop  }
0x4: {  	_ = 	snop  }
0x5: {  	_ = 	snop  }
0x6: {  	_ = 	snop  }
0x7: {  	_ = 	snop  }
__scs_overlays_trampoline_lowered:
0x8: {  	[smem:$0x3FAE] =	sst s0  }
0x9: {  	[smem:$0x3FAF] =	sst s1  }
0xa: {  	[smem:$0x3FB0] =	sst s2  }
0xb: {  	[smem:$0x3FB1] =	sst s3  }
0xc: {  	[smem:$0x3FB2] =	sst s4  }
0xd: {  	[smem:$0x3FB3] =	sst s5  }
0xe: {  	[smem:$0x3FB4] =	sst s6  }
0xf: {  	[smem:$0x3FB5] =	sst s7  }
0x10: {  	[smem:$0x3FB6] =	sst s8  }
0x11: {  	[smem:$0x3FB7] =	sst s9;
	s0 =	simm.s32 @!p0 $0x0  }
0x12: {  	s1 =	sld [smem:$0x3F9D];
	s0 =	simm.s32 @p0 $0x1  }
0x13: {  	[smem:$0x3FB8] =	sst s0;
	s0 =	simm.s32 @!p1 $0x0  }
0x14: {  	s2 =	sld [smem:$0x3F9C];
	s0 =	simm.s32 @p1 $0x1  }
0x15: {  	[smem:$0x3FB9] =	sst s0;
	s0 =	simm.s32 @!p2 $0x0  }
0x16: {  	s3 =	sld [smem:$0x3FDB];
	s0 =	simm.s32 @p2 $0x1  }
0x17: {  	s4 =	simm.s32 $0x1BF5;
	[smem:$0x3FBB] =	sst s0  }
0x18: {  	s0 =	sld [smem:$0x3F9E];
	_ =	swait.ge [sflag:s4], $0x0  }
0x19: {  	s7 =	sld [smem:$0x3F9F]  }
0x1a: {  	s8 =	sadd.s32 $0xFFFFE003, lr  }
0x1b: {  	s9 =	sadd.s32 $0xFFFFFEF7, lr;
	s5 =	simm.s32 $0xFFFFFFFF;
	p2 =	slt.u32 s8, $0xFFFFF086  }
0x1c: {  	p1 =	slt.u32 s9, $0xF7A;
	s5 =	simm.s32 @!p2 $0x0  }
0x1d: {  	s5 =	simm.s32 @p1 $0x1;
	p0 =	seq.s32 s7, s2  }
0x1e: {  	s7 =	smul.u32 @!p0 $0xF7A, s2;
	p2 =	seq.s32 @!p0 s5, $0x0  }
0x1f: {  	s9 =	smul.u32 $0xF7A, s1;
	s8 =	simm.s32 @!p0 $0x1BF5;
	p2 =	por !p2, p0  }
0x20: {  	[sflag:s8] =	ssyncset.s32 @!p0 $0xFFFFF086;
	s6 =	sadd.s32 @!p0 s3, s7;
	s7 =	simm.s32 @!p0 $0x108  }
0x21: {  	s3 =	sadd.s32 s3, s9;
	s6 =	sadd.s32 @!p0 $0x88, s6;
	s7 =	simm.s32 @p2 $0x1082  }
0x22: {  	[simem:s7], [sflag:s8] =	dma.local @!p0 [hbm:s6], $0xF7A  }
0x23: {  	s9 =	sor.u32 $0xD0000000, s2;
	s6 =	simm.s32 $0x108;
	_ =	swait.ge @!p0 [sflag:s8], $0x0  }
0x24: {  	s3 =	sadd.s32 $0x88, s3;
	s6 =	simm.s32 @!p1 $0x1082;
	[sflag:s4] =	ssyncset.s32 $0xFFFFF086  }
0x25: {  	[simem:s6], [sflag:s4] =	dma.local [hbm:s3], $0xF7A  }
0x26: {  	[smem:$0x3F9F] =	sst s1;
	(tag) =	ssettag s2;
	_ =	strace s9  }
0x27: {  	s1 =	sld [smem:$0x3FAF]  }
0x28: {  	s2 =	sld [smem:$0x3FB0]  }
0x29: {  	s4 =	sld [smem:$0x3FB2]  }
0x2a: {  	p0 =	seq.s32 s5, $0x0;
	s5 =	sld [smem:$0x3FB3]  }
0x2b: {  	s6 =	sld [smem:$0x3FB4]  }
0x2c: {  	s7 =	sld [smem:$0x3FB5]  }
0x2d: {  	s3 =	simm.s32 $0x108;
	s8 =	sld [smem:$0x3FB6]  }
0x2e: {  	s3 =	simm.s32 @!p0 $0x1082;
	s9 =	sld [smem:$0x3FB7]  }
0x2f: {  	lr =	sadd.s32 s0, s3;
	s0 =	sld [smem:$0x3FAE]  }
0x30: {  	s3 =	sld [smem:$0x3FB1]  }
0x31: {  	[smem:$0x3FBA] =	sst s10  }
0x32: {  	s10 =	sld [smem:$0x3FB8];
	_ =	sdelay $0x3  }
0x33: {  	p0 =	seq.s32 s10, $0x1;
	s10 =	sld [smem:$0x3FBA];
	_ =	sdelay $0x3  }
0x34: {  	[smem:$0x3FBA] =	sst s10  }
0x35: {  	s10 =	sld [smem:$0x3FB9];
	_ =	sdelay $0x3  }
0x36: {  	p1 =	seq.s32 s10, $0x1;
	s10 =	sld [smem:$0x3FBA];
	_ =	sdelay $0x3  }
0x37: {  	[smem:$0x3FBA] =	sst s10  }
0x38: {  	s10 =	sld [smem:$0x3FBB]  }
0x39: {  	_ = 	snop;
	(pc) =	sbr.ind lr, $3  }
0x3a: {  	_ = 	snop  }
0x3b: {  	_ = 	snop  }
0x3c: {  	p2 =	seq.s32 s10, $0x1;
	s10 =	sld [smem:$0x3FBA]  }
0x3d: {  	_ =	shalt  }
0x3e: {  	_ =	shalt  }
0x3f: {  	_ =	shalt  }
0x40: {  	_ =	shalt  }
0x41: {  	_ =	shalt  }
0x42: {  	_ =	shalt  }
0x43: {  	_ =	shalt  }
0x44: {  	_ =	shalt  }
0x45: {  	_ =	shalt  }
0x46: {  	_ =	shalt  }
0x47: {  	_ =	shalt  }
0x48: {  	_ =	shalt  }
0x49: {  	_ =	shalt  }
0x4a: {  	_ =	shalt  }
0x4b: {  	_ =	shalt  }
0x4c: {  	_ =	shalt  }
0x4d: {  	_ =	shalt  }
0x4e: {  	_ =	shalt  }
0x4f: {  	_ =	shalt  }
0x50: {  	_ =	shalt  }
0x51: {  	_ =	shalt  }
0x52: {  	_ =	shalt  }
0x53: {  	_ =	shalt  }
0x54: {  	_ =	shalt  }
0x55: {  	_ =	shalt  }
0x56: {  	_ =	shalt  }
0x57: {  	_ =	shalt  }
0x58: {  	_ =	shalt  }
0x59: {  	_ =	shalt  }
0x5a: {  	_ =	shalt  }
0x5b: {  	_ =	shalt  }
0x5c: {  	_ =	shalt  }
0x5d: {  	_ =	shalt  }
0x5e: {  	_ =	shalt  }
0x5f: {  	_ =	shalt  }
0x60: {  	_ =	shalt  }
0x61: {  	_ =	shalt  }
0x62: {  	_ =	shalt  }
0x63: {  	_ =	shalt  }
0x64: {  	_ =	shalt  }
0x65: {  	_ =	shalt  }
0x66: {  	_ =	shalt  }
0x67: {  	_ =	shalt  }
0x68: {  	_ =	shalt  }
0x69: {  	_ =	shalt  }
0x6a: {  	_ =	shalt  }
0x6b: {  	_ =	shalt  }
0x6c: {  	_ =	shalt  }
0x6d: {  	_ =	shalt  }
0x6e: {  	_ =	shalt  }
0x6f: {  	_ =	shalt  }
0x70: {  	_ =	shalt  }
0x71: {  	_ =	shalt  }
0x72: {  	_ =	shalt  }
0x73: {  	_ =	shalt  }
0x74: {  	_ =	shalt  }
0x75: {  	_ =	shalt  }
0x76: {  	_ =	shalt  }
0x77: {  	_ =	shalt  }
0x78: {  	_ =	shalt  }
0x79: {  	_ =	shalt  }
0x7a: {  	_ =	shalt  }
0x7b: {  	_ =	shalt  }
0x7c: {  	_ =	shalt  }
0x7d: {  	_ =	shalt  }
0x7e: {  	_ =	shalt  }
0x7f: {  	_ =	shalt  }
0x80: {  	_ =	shalt  }
0x81: {  	_ =	shalt  }
0x82: {  	_ =	shalt  }
0x83: {  	_ =	shalt  }
0x84: {  	_ =	shalt  }
0x85: {  	_ =	shalt  }
0x86: {  	_ =	shalt  }
0x87: {  	_ =	shalt  }
.Lfunc_end0:
.L_simem_size_0:
called_computation_lowered:
.L_overlay_start_0:
0x88: {  	s2 =	sld [smem:$0x3FD9]  }
0x89: {  	s3 =	sld [smem:$0x3FFE];
	_ =	sdelay $0x1  }
0x8a: {  	s1 =	srdreg.scid  }
0x8b: {  	s0 =	sand.u32 $0x1, s1  }
0x8c: {  	s17 =	sshll.u32 s0, $0xA;
	s2 =	sadd.s32 s3, s2  }
0x8d: {  	s2 =	sadd.s32 s2, s17  }
0x8e: {  	[smem:$0x3FC6] =	sst s2  }
0x8f: {  	_ = 	snop  }
0x90: {  	s2 =	sld [smem:$0x3FC8]  }
0x91: {  	s18 =	sld [smem:$0x3FD0];
	(tm) =	ssettm $0x1  }
0x92: {  	s4 =	sld [smem:$0x3FFB];
	_ =	sdelay $0x3  }
0x93: {  	_ =	strace s4  }
0x94: {  	s4 =	sld [smem:$0x3FFC];
	_ =	sdelay $0x3  }
0x95: {  	_ =	strace s4  }
0x96: {  	s4 =	sld [smem:$0x3FFD];
	_ =	sdelay $0x3  }
0x97: {  	_ =	strace s4  }
0x98: {  	_ =	strace $0x8FFFFFFF  }
0x99: {  	s19 =	sld [smem:$0x3FDB];
	_ =	sdelay $0x1  }
0x9a: {  	s5 =	simm.s32 $_scs_section_size  }
0x9b: {  	s6 =	simm.s32 $_size__tile_overlayer_lowered;
	s7 =	simm.s32 $_tile_overlayer_lowered  }
0x9c: {  	s22 =	simm.s32 $0x1BFF;
	s21 =	sshll.u32 s7, $0x1;
	s4 =	sadd.s32 s5, s19  }
0x9d: {  	s8 =	simm.s32 $0x0;
	s20 =	sshll.u32 s6, $0x1;
	s6 =	sadd.s32 s21, s4  }
0x9e: {  	[timem:s8], [sflag:s22] =	dma.local [hbm:s6], s20  }
0x9f: {  	_ =	swait.ge [sflag:s22], s20  }
0xa0: {  	s5 =	ssub.s32 $0x0, s20;
	[sflag:s22] =	ssyncset.done $0x0  }
0xa1: {  	[sflag:s22] =	ssyncadd.s32 s5;
	_ =	sdelay $0x1  }
0xa2: {  	s23 =	simm.s32 $0x1B8B  }
0xa3: {  	_ =	swait.ge [sflag:s23], $0x1  }
0xa4: {  	[sflag:s23] =	ssyncset.done $0x0  }
0xa5: {  	s25 =	simm.s32 $0x1B8E;
	s24 =	sld [smem:$0x3FFE];
	[sflag:s23] =	ssyncadd.s32 $0xFFFFFFFF  }
0xa6: {  	s26 =	simm.s32 $execute0_lowered;
	[smem:$0x3FD2] =	sst s25  }
0xa7: {  	s6 =	sshll.u32 s26, $0x1;
	_ =	strace $0x80000046;
	[dreg:$0x1] =	wrdreg $0xFFFFFFFF  }
0xa8: {  	s28 =	simm.s32 $_size_execute0_lowered;
	s4 =	sadd.s32 s4, s6;
	[dreg:$0x0] =	wrdreg $0x0  }
0xa9: {  	s6 =	sshll.u32 s28, $0x1;
	[dreg:$0x2] =	wrdreg s4  }
0xaa: {  	[dreg:$0x3] =	wrdreg s6  }
0xab: {  	[dreg:$0x4] =	wrdreg $0xC0  }
0xac: {  	_ =	task [dreg:s8], $0x5FFFF  }
0xad: {  	[dreg:$0x1] =	wrdreg $0xFFFFFFFF  }
0xae: {  	[dreg:$0x0] =	wrdreg $0x60  }
0xaf: {  	[dreg:$0x2] =	wrdreg s24  }
0xb0: {  	[dreg:$0x3] =	wrdreg s2  }
0xb1: {  	[dreg:$0x4] =	wrdreg s18  }
0xb2: {  	[dreg:$0x5] =	wrdreg $0x9  }
0xb3: {  	_ =	task.clear_ibuf [dreg:s8], $0x6FFFF;
	_ =	strace $0x90000046  }
0xb4: {  	s29 =	simm.s32 $0x9;
	_ =	strace $0x80000048  }
0xb5: {  	_ =	swait.ge [sflag:s29], $0x1  }
0xb6: {  	[sflag:s29] =	ssyncadd.s32 $0xFFFFFFFF  }
0xb7: {  	_ =	strace $0x90000048  }
0xb8: {  	_ =	sfence  }
0xb9: {  	s30 =	sld [smem:$0x0];
	_ =	sdelay $0x2  }
0xba: {  	s31 =	sshll.u32 s1, $0xD;
	s1 =	sshrl.u32 s1, $0x2  }
0xbb: {  	s3 =	sand.u32 $0x4000, s31;
	s1 =	sadd.s32 s1, s30  }
0xbc: {  	s0 =	sor.u32 s3, s0;
	s1 =	sshll.u32 s1, $0x11  }
0xbd: {  	s0 =	sor.u32 s1, s0  }
0xbe: {  	s0 =	sadd.s32 $0x8F2B, s0  }
0xbf: {  	[sflag:s0] =	ssyncadd.remote.s32 $0x1  }
0xc0: {  	_ =	sfence.sel $0xFFFF  }
0xc1: {  	[dreg:$0x0] =	wrdreg $0xFFFFFFFF;
	(pc) =	sbr.abs _section_cstart, $3  }
0xc2: {  	[dreg:$0x1] =	wrdreg $0xFFFFFFFF  }
0xc3: {  	_ =	task.clear_ibuf [dreg:s8], $0x2FFFF;
	_ =	strace $0x9FFFFFFF  }
0xc4: {  	(tm) =	ssettm $0x7FFFFFFF  }
0xc5: {  	_ =	shalt  }
tec
execute0_lowered:
.L_overlay_start_1:
0x0: {  	(tag) =	ssettag $0x1  }
0x1: {  	s1 =	rddreg [dreg:$0x0]  }
0x2: {  	s3 =	srdreg.scid;
	s2 =	rddreg [dreg:$0x1]  }
0x3: {  	s0 =	stileid.u32;
	s7 =	rddreg [dreg:$0x2];
	s12 =	simm.s32 $0x1C00  }
0x4: {  	s13 =	simm.s32 $0x5C00;
	s16 =	simm.s32 $0xDC00;
	s9 =	smul.u32 $0x32000, s0  }
0x5: {  	s17 =	simm.s32 $0x1;
	s5 =	sand.u32 $0x1, s3;
	s24 =	smul.u32 $0x190000, s0  }
0x6: {  	s18 =	simm.s32 $0x11C00;
	s21 =	sshll.u32 s0, $0x1;
	s10 =	smul.u32 $0x19000, s5  }
0x7: {  	s19 =	simm.s32 $0x2;
	s4 =	sor.u32 s5, s21;
	s11 =	smul.u32 $0xC8000, s5  }
0x8: {  	s20 =	simm.s32 $0x4;
	s3 =	simm.s32 $0x0;
	s6 =	smul.u32 $0x380, s4  }
0x9: {  	[smem:$0x7FF] =	sst s3;
	s22 =	ssub.s32 $0x2, s5;
	s8 =	smul.u32 $0x19000, s4  }
0xa: {  	_ =	strace $0x80000047;
	s23 =	sshrl.u32 s22, $0x1;
	s1 =	sadd.s32 s6, s1  }
0xb: {  	s9 =	sadd.s32 s9, s7;
	s6 =	ssub.s32 s22, s23;
	s1 =	sadd.s32 $0x400, s1  }
0xc: {  	s8 =	sadd.s32 s7, s8;
	s25 =	smax.u32 s6, $0x1;
	[dreg:$0x5] =	wrdreg s1  }
0xd: {  	s28 =	sadd.s32 s10, s9;
	s26 =	sadd.s32 $0x17800, s8;
	[dreg:$0x6] =	wrdreg s25  }
0xe: {  	s21 =	simm.s32 $0x5;
	s6 =	sadd.s32 $0x1000, s28;
	[dreg:$0x4] =	wrdreg s26  }
0xf: {  	s1 =	sadd.s32 s11, s24;
	s11 =	simm.s32 $0x80;
	s24 =	simm.s32 $0x0  }
0x10: {  	s29 =	sadd.s32 $0x10000, s1;
	s30 =	sadd.s32 $0xC000, s1;
	s1 =	sor.u32 $0x4000, s1  }
0x11: {  	s8 =	sshrl.u32 s29, $0x3;
	s9 =	sshrl.u32 s30, $0x3;
	s31 =	sshrl.u32 s1, $0x3  }
0x12: {  	s1 =	sadd.s32 s8, s7;
	s8 =	sadd.s32 s9, s7;
	s9 =	sadd.s32 s31, s7  }
.LBB2_1:
0x13: {  	s0 =	rddreg [dreg:$0x5];
	s15 =	simm.s32 $0xB  }
0x14: {  	[tilespmem:s3], [sflag:$0xB] =	stream.linear.gather [hbm4b:s0+s3], $0x1900, $0x38;
	[tilespmem:$0x15C00] =	vst v63  }
0x15: {  	_ =	swait.ge [sflag:s15], $0x1900  }
0x16: {  	[sflag:s15] =	ssyncset.done $0x0  }
0x17: {  	[sflag:s15] =	ssyncadd.s32 $0xFFFFE700  }
0x18: {  	[tilespmem:s12], [sflag:$0x1] =	stream.indirect.gather [hbm4b:s2+s11], $0x80, s3, s11, $0xb8;
	[tilespmem:$0x15C00] =	vst v63  }
0x19: {  	p0 =	por $0x1, $0x1  }
0x1a: {  	[tilespmem:s13], [sflag:$0x2] =	stream.indirect.gather [hbm4b:s2+s11], $0x80, s11, s11, $0xb8;
	[tilespmem:$0x15C00] =	vst v63  }
0x1b: {  	s22 =	simm.s32 $0x100;
	s4 =	simm.s32 $0x9C00;
	s7 =	simm.s32 @!p0 $0x9  }
0x1c: {  	[tilespmem:s4], [sflag:$0x3] =	stream.indirect.gather [hbm4b:s2+s11], $0x80, s22, s11, $0xb8;
	[tilespmem:$0x15C00] =	vst v63  }
0x1d: {  	_ =	swait.ge @!p0 [sflag:s7], $0x4000  }
0x1e: {  	[sflag:s7] =	ssyncset.done @!p0 $0x0  }
0x1f: {  	s25 =	simm.s32 $0x180;
	[sflag:s7] =	ssyncadd.s32 @!p0 $0xFFFFC000  }
0x20: {  	[tilespmem:s16], [sflag:$0x4] =	stream.indirect.gather [hbm4b:s2+s11], $0x80, s25, s11, $0xb8;
	[tilespmem:$0x15C00] =	vst v63  }
0x21: {  	_ =	swait.ge [sflag:s17], $0x4000  }
0x22: {  	[sflag:s17] =	ssyncset.done $0x0  }
0x23: {  	s23 =	sadd.s32 $0xFFFFF000, s6;
	s25 =	simm.s32 @!p0 $0xA;
	[sflag:s17] =	ssyncadd.s32 $0xFFFFC000  }
0x24: {  	[hbm4b:s23+s3] =	stream.linear.scatter [tilespmem:s12], [sflag:$0x6], $0x4000, $0x38;
	[tilespmem:$0x15C00] =	vst v63  }
0x25: {  	_ =	swait.ge @!p0 [sflag:s25], $0x4000  }
0x26: {  	[sflag:s25] =	ssyncset.done @!p0 $0x0  }
0x27: {  	s26 =	simm.s32 $0x200;
	[sflag:s25] =	ssyncadd.s32 @!p0 $0xFFFFC000  }
0x28: {  	[tilespmem:s18], [sflag:$0x5] =	stream.indirect.gather [hbm4b:s2+s11], $0x80, s26, s11, $0xb8;
	[tilespmem:$0x15C00] =	vst v63  }
0x29: {  	_ =	swait.ge [sflag:s19], $0x4000  }
0x2a: {  	p0 =	por $0x0, $0x0;
	[sflag:s19] =	ssyncset.done $0x0  }
0x2b: {  	s7 =	simm.s32 @p0 $0x3;
	[sflag:s19] =	ssyncadd.s32 $0xFFFFC000  }
0x2c: {  	[hbm4b:s9+s3] =	stream.linear.scatter [tilespmem:s13], [sflag:$0x7], $0x4000, $0x38;
	[tilespmem:$0x15C00] =	vst v63  }
0x2d: {  	_ =	swait.ge @p0 [sflag:s7], $0x4000  }
0x2e: {  	s26 =	simm.s32 @p0 $0x9C00;
	s28 =	simm.s32 @!p0 $0x6;
	[sflag:s7] =	ssyncset.done @p0 $0x0  }
0x2f: {  	s25 =	rddreg [dreg:$0x4];
	[sflag:s7] =	ssyncadd.s32 @p0 $0xFFFFC000;
	s7 =	simm.s32 @p0 $0x0  }
0x30: {  	[hbm4b:s25+s7] =	stream.linear.scatter @p0 [tilespmem:s26], [sflag:$0x8], $0x4000, $0x38;
	[tilespmem:$0x15C00] =	vst v63  }
0x31: {  	_ =	swait.ge @!p0 [sflag:s28], $0x4000  }
0x32: {  	s7 =	simm.s32 @!p0 $0x280;
	s25 =	simm.s32 @!p0 $0x80;
	[sflag:s28] =	ssyncset.done @!p0 $0x0  }
0x33: {  	s26 =	simm.s32 @!p0 $0x1C00;
	[sflag:s28] =	ssyncadd.s32 @!p0 $0xFFFFC000;
	s28 =	simm.s32 @!p0 $0x3  }
0x34: {  	[tilespmem:s26], [sflag:$0x1] =	stream.indirect.gather @!p0 [hbm4b:s2+s25], $0x80, s7, s25, $0xb8;
	[tilespmem:$0x15C00] =	vst v63  }
0x35: {  	_ =	swait.ge @!p0 [sflag:s28], $0x4000  }
0x36: {  	s7 =	simm.s32 @!p0 $0x0;
	[sflag:s28] =	ssyncset.done @!p0 $0x0  }
0x37: {  	s26 =	simm.s32 @!p0 $0x9C00;
	[sflag:s28] =	ssyncadd.s32 @!p0 $0xFFFFC000;
	s28 =	simm.s32 @!p0 $0x7  }
0x38: {  	[hbm4b:s6+s7] =	stream.linear.scatter @!p0 [tilespmem:s26], [sflag:$0x8], $0x4000, $0x38;
	[tilespmem:$0x15C00] =	vst v63  }
0x39: {  	_ =	swait.ge @!p0 [sflag:s28], $0x4000  }
0x3a: {  	[sflag:s28] =	ssyncset.done @!p0 $0x0  }
0x3b: {  	s29 =	simm.s32 @!p0 $0x5C00;
	s7 =	simm.s32 @!p0 $0x300;
	[sflag:s28] =	ssyncadd.s32 @!p0 $0xFFFFC000  }
0x3c: {  	[tilespmem:s29], [sflag:$0x2] =	stream.indirect.gather @!p0 [hbm4b:s2+s25], $0x80, s7, s25, $0xb8;
	[tilespmem:$0x15C00] =	vst v63  }
0x3d: {  	_ =	swait.ge [sflag:s20], $0x4000  }
0x3e: {  	[sflag:s20] =	ssyncset.done $0x0  }
0x3f: {  	s7 =	simm.s32 @!p0 $0x8;
	[sflag:s20] =	ssyncadd.s32 $0xFFFFC000  }
0x40: {  	[hbm4b:s8+s3] =	stream.linear.scatter [tilespmem:s16], [sflag:$0x9], $0x4000, $0x38;
	[tilespmem:$0x15C00] =	vst v63  }
0x41: {  	_ =	swait.ge @!p0 [sflag:s7], $0x4000  }
0x42: {  	s30 =	simm.s32 $0xA00;
	s31 =	simm.s32 $0x1400;
	[sflag:s7] =	ssyncset.done @!p0 $0x0  }
0x43: {  	p1 =	por $0x0, $0x0;
	s28 =	simm.s32 @!p0 $0x380;
	[sflag:s7] =	ssyncadd.s32 @!p0 $0xFFFFC000  }
0x44: {  	[tilespmem:s26], [sflag:$0x3] =	stream.indirect.gather @!p0 [hbm4b:s2+s25], $0x80, s28, s25, $0xb8;
	[tilespmem:$0x15C00] =	vst v63  }
0x45: {  	s29 =	sadd.s32 $0x2800, s9;
	s7 =	smov.u32 s1;
	s25 =	sadd.s32 $0x2800, s1  }
0x46: {  	s26 =	sadd.s32 $0x2800, s8;
	s28 =	sadd.s32 $0x2800, s6;
	_ =	swait.ge [sflag:s21], $0x4000  }
.LBB2_2:
0x47: {  	[sflag:s21] =	ssyncset.done $0x0  }
0x48: {  	s0 =	simm.s32 @!p1 $0x9;
	[sflag:s21] =	ssyncadd.s32 $0xFFFFC000  }
0x49: {  	[hbm4b:s7+s3] =	stream.linear.scatter [tilespmem:s18], [sflag:$0xA], $0x4000, $0x38;
	[tilespmem:$0x15C00] =	vst v63  }
0x4a: {  	_ =	swait.ge @!p1 [sflag:s0], $0x4000  }
0x4b: {  	s15 =	sshra.s32 s30, $0x2;
	[sflag:s0] =	ssyncset.done @!p1 $0x0  }
0x4c: {  	s4 =	sadd.s32 $0x180, s15;
	[sflag:s0] =	ssyncadd.s32 @!p1 $0xFFFFC000  }
0x4d: {  	[tilespmem:s16], [sflag:$0x4] =	stream.indirect.gather [hbm4b:s2+s11], $0x80, s4, s11, $0xb8;
	[tilespmem:$0x15C00] =	vst v63  }
0x4e: {  	_ =	swait.ge [sflag:s17], $0x4000  }
0x4f: {  	[sflag:s17] =	ssyncset.done $0x0  }
0x50: {  	s22 =	sadd.s32 $0xFFFFF000, s28;
	s4 =	simm.s32 @!p1 $0xA;
	[sflag:s17] =	ssyncadd.s32 $0xFFFFC000  }
0x51: {  	[hbm4b:s22+s3] =	stream.linear.scatter [tilespmem:s12], [sflag:$0x6], $0x4000, $0x38;
	[tilespmem:$0x15C00] =	vst v63  }
0x52: {  	_ =	swait.ge @!p1 [sflag:s4], $0x4000  }
0x53: {  	[sflag:s4] =	ssyncset.done @!p1 $0x0  }
0x54: {  	s23 =	sadd.s32 $0x200, s15;
	[sflag:s4] =	ssyncadd.s32 @!p1 $0xFFFFC000  }
0x55: {  	[tilespmem:s18], [sflag:$0x5] =	stream.indirect.gather [hbm4b:s2+s11], $0x80, s23, s11, $0xb8;
	[tilespmem:$0x15C00] =	vst v63  }
0x56: {  	_ =	swait.ge [sflag:s19], $0x4000  }
0x57: {  	p1 =	seq.s32 s30, $0x5A00;
	[sflag:s19] =	ssyncset.done $0x0  }
0x58: {  	s0 =	simm.s32 @p1 $0x3;
	[sflag:s19] =	ssyncadd.s32 $0xFFFFC000  }
0x59: {  	[hbm4b:s29+s3] =	stream.linear.scatter [tilespmem:s13], [sflag:$0x7], $0x4000, $0x38;
	[tilespmem:$0x15C00] =	vst v63  }
0x5a: {  	s14 =	smov.u32 s31;
	_ =	swait.ge @p1 [sflag:s0], $0x4000  }
0x5b: {  	s22 =	simm.s32 @p1 $0x9C00;
	s23 =	simm.s32 @!p1 $0x6;
	[sflag:s0] =	ssyncset.done @p1 $0x0  }
0x5c: {  	s10 =	rddreg [dreg:$0x4];
	[sflag:s0] =	ssyncadd.s32 @p1 $0xFFFFC000;
	s0 =	simm.s32 @p1 $0x0  }
0x5d: {  	[hbm4b:s10+s0] =	stream.linear.scatter @p1 [tilespmem:s22], [sflag:$0x8], $0x4000, $0x38;
	[tilespmem:$0x15C00] =	vst v63  }
0x5e: {  	s4 =	sshra.s32 @!p1 s30, $0x2;
	s30 =	smov.u32 s14;
	_ =	swait.ge @!p1 [sflag:s23], $0x4000  }
0x5f: {  	s14 =	simm.s32 @!p1 $0x3;
	s15 =	sadd.s32 @!p1 $0x280, s4;
	[sflag:s23] =	ssyncset.done @!p1 $0x0  }
0x60: {  	s0 =	simm.s32 @!p1 $0x80;
	s10 =	simm.s32 @!p1 $0x1C00;
	[sflag:s23] =	ssyncadd.s32 @!p1 $0xFFFFC000  }
0x61: {  	[tilespmem:s10], [sflag:$0x1] =	stream.indirect.gather @!p1 [hbm4b:s2+s0], $0x80, s15, s0, $0xb8;
	[tilespmem:$0x15C00] =	vst v63  }
0x62: {  	_ =	swait.ge @!p1 [sflag:s14], $0x4000  }
0x63: {  	s10 =	simm.s32 @!p1 $0x0;
	[sflag:s14] =	ssyncset.done @!p1 $0x0  }
0x64: {  	s15 =	simm.s32 @!p1 $0x9C00;
	[sflag:s14] =	ssyncadd.s32 @!p1 $0xFFFFC000;
	s14 =	simm.s32 @!p1 $0x7  }
0x65: {  	[hbm4b:s28+s10] =	stream.linear.scatter @!p1 [tilespmem:s15], [sflag:$0x8], $0x4000, $0x38;
	[tilespmem:$0x15C00] =	vst v63  }
0x66: {  	_ =	swait.ge @!p1 [sflag:s14], $0x4000  }
0x67: {  	[sflag:s14] =	ssyncset.done @!p1 $0x0  }
0x68: {  	s5 =	sadd.s32 @!p1 $0x300, s4;
	s10 =	simm.s32 @!p1 $0x5C00;
	[sflag:s14] =	ssyncadd.s32 @!p1 $0xFFFFC000  }
0x69: {  	[tilespmem:s10], [sflag:$0x2] =	stream.indirect.gather @!p1 [hbm4b:s2+s0], $0x80, s5, s0, $0xb8;
	[tilespmem:$0x15C00] =	vst v63  }
0x6a: {  	_ =	swait.ge [sflag:s20], $0x4000  }
0x6b: {  	s31 =	sadd.s32 $0xA00, s31;
	[sflag:s20] =	ssyncset.done $0x0  }
0x6c: {  	p0 =	sne.s32 s31, $0x6400;
	s5 =	simm.s32 @!p1 $0x8;
	[sflag:s20] =	ssyncadd.s32 $0xFFFFC000  }
0x6d: {  	[hbm4b:s26+s3] =	stream.linear.scatter [tilespmem:s16], [sflag:$0x9], $0x4000, $0x38;
	[tilespmem:$0x15C00] =	vst v63  }
.Ltmp0:
0x6e: {  	s7 =	smov.u32 s25;
	_ =	swait.ge @!p1 [sflag:s5], $0x4000;
	(pc) =	sbr.rel @p0 .LBB2_2-.Ltmp0, $4  }
0x6f: {  	s25 =	sadd.s32 $0x2800, s25;
	s4 =	sadd.s32 @!p1 $0x380, s4;
	[sflag:s5] =	ssyncset.done @!p1 $0x0  }
0x70: {  	s29 =	sadd.s32 $0x2800, s29;
	s28 =	sadd.s32 $0x2800, s28;
	[sflag:s5] =	ssyncadd.s32 @!p1 $0xFFFFC000  }
0x71: {  	[tilespmem:s15], [sflag:$0x3] =	stream.indirect.gather @!p1 [hbm4b:s2+s0], $0x80, s4, s0, $0xb8;
	[tilespmem:$0x15C00] =	vst v63  }
0x72: {  	s26 =	sadd.s32 $0x2800, s26;
	p1 =	seq.s32 s30, $0x0;
	_ =	swait.ge [sflag:s21], $0x4000  }
0x73: {  	[sflag:s21] =	ssyncset.done $0x0  }
0x74: {  	s0 =	simm.s32 @!p1 $0x9;
	[sflag:s21] =	ssyncadd.s32 $0xFFFFC000  }
0x75: {  	[hbm4b:s7+s3] =	stream.linear.scatter [tilespmem:s18], [sflag:$0xA], $0x4000, $0x38;
	[tilespmem:$0x15C00] =	vst v63  }
0x76: {  	_ =	swait.ge @!p1 [sflag:s0], $0x4000  }
0x77: {  	s4 =	sshra.s32 s30, $0x2;
	[sflag:s0] =	ssyncset.done @!p1 $0x0  }
0x78: {  	s5 =	sadd.s32 $0x180, s4;
	[sflag:s0] =	ssyncadd.s32 @!p1 $0xFFFFC000  }
0x79: {  	[tilespmem:s16], [sflag:$0x4] =	stream.indirect.gather [hbm4b:s2+s11], $0x80, s5, s11, $0xb8;
	[tilespmem:$0x15C00] =	vst v63  }
0x7a: {  	_ =	swait.ge [sflag:s17], $0x4000  }
0x7b: {  	[sflag:s17] =	ssyncset.done $0x0  }
0x7c: {  	s22 =	sadd.s32 $0xFFFFF000, s28;
	s5 =	simm.s32 @!p1 $0xA;
	[sflag:s17] =	ssyncadd.s32 $0xFFFFC000  }
0x7d: {  	[hbm4b:s22+s3] =	stream.linear.scatter [tilespmem:s12], [sflag:$0x6], $0x4000, $0x38;
	[tilespmem:$0x15C00] =	vst v63  }
0x7e: {  	_ =	swait.ge @!p1 [sflag:s5], $0x4000  }
0x7f: {  	[sflag:s5] =	ssyncset.done @!p1 $0x0  }
0x80: {  	s23 =	sadd.s32 $0x200, s4;
	[sflag:s5] =	ssyncadd.s32 @!p1 $0xFFFFC000  }
0x81: {  	[tilespmem:s18], [sflag:$0x5] =	stream.indirect.gather [hbm4b:s2+s11], $0x80, s23, s11, $0xb8;
	[tilespmem:$0x15C00] =	vst v63  }
0x82: {  	_ =	swait.ge [sflag:s19], $0x4000  }
0x83: {  	p0 =	seq.s32 s30, $0x5A00;
	[sflag:s19] =	ssyncset.done $0x0  }
0x84: {  	s0 =	simm.s32 @p0 $0x3;
	[sflag:s19] =	ssyncadd.s32 $0xFFFFC000  }
0x85: {  	[hbm4b:s29+s3] =	stream.linear.scatter [tilespmem:s13], [sflag:$0x7], $0x4000, $0x38;
	[tilespmem:$0x15C00] =	vst v63  }
0x86: {  	_ =	swait.ge @p0 [sflag:s0], $0x4000  }
0x87: {  	s7 =	simm.s32 @!p0 $0x6;
	s5 =	simm.s32 @p0 $0x9C00;
	[sflag:s0] =	ssyncset.done @p0 $0x0  }
0x88: {  	s4 =	rddreg [dreg:$0x4];
	[sflag:s0] =	ssyncadd.s32 @p0 $0xFFFFC000;
	s0 =	simm.s32 @p0 $0x0  }
0x89: {  	[hbm4b:s4+s0] =	stream.linear.scatter @p0 [tilespmem:s5], [sflag:$0x8], $0x4000, $0x38;
	[tilespmem:$0x15C00] =	vst v63  }
0x8a: {  	s10 =	simm.s32 @!p0 $0x1C00;
	_ =	swait.ge @!p0 [sflag:s7], $0x4000  }
0x8b: {  	s0 =	sshra.s32 @!p0 s30, $0x2;
	s5 =	simm.s32 @!p0 $0x80;
	[sflag:s7] =	ssyncset.done @!p0 $0x0  }
0x8c: {  	s4 =	sadd.s32 @!p0 $0x280, s0;
	[sflag:s7] =	ssyncadd.s32 @!p0 $0xFFFFC000;
	s7 =	simm.s32 @!p0 $0x3  }
0x8d: {  	[tilespmem:s10], [sflag:$0x1] =	stream.indirect.gather @!p0 [hbm4b:s2+s5], $0x80, s4, s5, $0xb8;
	[tilespmem:$0x15C00] =	vst v63  }
0x8e: {  	_ =	swait.ge @!p0 [sflag:s7], $0x4000  }
0x8f: {  	s4 =	simm.s32 @!p0 $0x0;
	[sflag:s7] =	ssyncset.done @!p0 $0x0  }
0x90: {  	s10 =	simm.s32 @!p0 $0x9C00;
	[sflag:s7] =	ssyncadd.s32 @!p0 $0xFFFFC000;
	s7 =	simm.s32 @!p0 $0x7  }
0x91: {  	[hbm4b:s28+s4] =	stream.linear.scatter @!p0 [tilespmem:s10], [sflag:$0x8], $0x4000, $0x38;
	[tilespmem:$0x15C00] =	vst v63  }
0x92: {  	_ =	swait.ge @!p0 [sflag:s7], $0x4000  }
0x93: {  	[sflag:s7] =	ssyncset.done @!p0 $0x0  }
0x94: {  	s14 =	simm.s32 @!p0 $0x5C00;
	s4 =	sadd.s32 @!p0 $0x300, s0;
	[sflag:s7] =	ssyncadd.s32 @!p0 $0xFFFFC000  }
0x95: {  	[tilespmem:s14], [sflag:$0x2] =	stream.indirect.gather @!p0 [hbm4b:s2+s5], $0x80, s4, s5, $0xb8;
	[tilespmem:$0x15C00] =	vst v63  }
0x96: {  	_ =	swait.ge [sflag:s20], $0x4000  }
0x97: {  	[sflag:s20] =	ssyncset.done $0x0  }
0x98: {  	s4 =	simm.s32 @!p0 $0x8;
	[sflag:s20] =	ssyncadd.s32 $0xFFFFC000  }
0x99: {  	[hbm4b:s26+s3] =	stream.linear.scatter [tilespmem:s16], [sflag:$0x9], $0x4000, $0x38;
	[tilespmem:$0x15C00] =	vst v63  }
0x9a: {  	_ =	swait.ge @!p0 [sflag:s4], $0x4000  }
0x9b: {  	[sflag:s4] =	ssyncset.done @!p0 $0x0  }
0x9c: {  	s0 =	sadd.s32 @!p0 $0x380, s0;
	[sflag:s4] =	ssyncadd.s32 @!p0 $0xFFFFC000  }
0x9d: {  	[tilespmem:s10], [sflag:$0x3] =	stream.indirect.gather @!p0 [hbm4b:s2+s5], $0x80, s0, s5, $0xb8;
	[tilespmem:$0x15C00] =	vst v63  }
0x9e: {  	_ =	swait.ge [sflag:s21], $0x4000  }
0x9f: {  	[sflag:s21] =	ssyncset.done $0x0  }
0xa0: {  	s29 =	simm.s32 $0x9;
	[sflag:s21] =	ssyncadd.s32 $0xFFFFC000  }
0xa1: {  	[hbm4b:s25+s3] =	stream.linear.scatter [tilespmem:s18], [sflag:$0xA], $0x4000, $0x38;
	[tilespmem:$0x15C00] =	vst v63  }
0xa2: {  	_ =	swait.ge [sflag:s29], $0x4000  }
0xa3: {  	[sflag:s29] =	ssyncset.done $0x0  }
0xa4: {  	s30 =	simm.s32 $0xA;
	[sflag:s29] =	ssyncadd.s32 $0xFFFFC000  }
0xa5: {  	_ =	swait.ge [sflag:s30], $0x4000  }
0xa6: {  	s24 =	sadd.s32 $0x1, s24;
	s31 =	rddreg [dreg:$0x6]  }
0xa7: {  	p0 =	sne.s32 s24, s31  }
.Ltmp1:
0xa8: {  	_ = 	snop;
	(pc) =	sbr.rel @p0 .LBB2_1-.Ltmp1, $3  }
0xa9: {  	_ =	sdelay $0x1  }
0xaa: {  	[sflag:s30] =	ssyncset.done $0x0  }
0xab: {  	[sflag:s30] =	ssyncadd.s32 $0xFFFFC000  }
0xac: {  	_ =	sfence.sel $0x180000  }
0xad: {  	[bflag:$0x0] =	sbarrier.arrive $0xFFFF  }
0xae: {  	_ =	strace $0x90000047  }
0xaf: {  	s0 =	stileid.u32;
	[bflag:$0x2] =	sbarrier.arrive $0xFFFF  }
0xb0: {  	p0 =	sne.s32 s0, $0x0;
	s0 =	rddreg [dreg:$0x3]  }
0xb1: {  	s0 =	sadd.s32 @!p0 $0x100000, s0  }
0xb2: {  	[sflag:s0] =	ssyncadd.tile.s32 @!p0 $0x1;
	_ =	shalt  }
.Lfunc_end2:
_tile_overlayer_lowered:
.L_overlay_start_2:
0xb3: {  	(tag) =	ssettag $0x2  }
0xb4: {  	s0 =	rddreg [dreg:$0x0];
	s2 =	stileid.u32  }
0xb5: {  	s1 =	rddreg [dreg:$0x1];
	p0 =	sne.s32 s2, $0x0  }
0xb6: {  	s3 =	rddreg [dreg:$0x2];
	[bflag:$0x3] =	sbarrier.arrive $0xFFFF;
	s2 =	simm.s32 @!p0 $0x1C0B  }
0xb7: {  	[timem:s3], [sflag:s2] =	dma.local @!p0 [hbm:s0], s1  }
0xb8: {  	s0 =	simm.s32 @!p0 $0xB  }
0xb9: {  	_ =	swait.ge @!p0 [sflag:s0], s1  }
0xba: {  	s1 =	ssub.s32 @!p0 $0x0, s1;
	[sflag:s0] =	ssyncset.done @!p0 $0x0  }
0xbb: {  	[sflag:s0] =	ssyncadd.s32 @!p0 s1  }
0xbc: {  	[bflag:$0x3] =	sbarrier.arrive $0xFFFF  }
0xbd: {  	_ =	shalt  }

</sc_bundles>
